<compile_context>
chip_gen: v7x
topology: tpu7x:2x2x1
jax: 0.10.2.dev20260603
libtpu: 0.0.44.dev20260713+nightly
codegen_flags: <defaults>
</compile_context>

<pallas_src>
import functools

import jax
import jax.numpy as jnp
from jax.experimental import pallas as pl
from jax.experimental.pallas import tpu as pltpu
from jax.experimental.pallas import tpu_sc as plsc

_mesh = plsc.ScalarSubcoreMesh(axis_name="c", num_cores=1)

_ROW_MAP = ((0, 0), (6, 1), (1, 2))


@functools.partial(
    pl.kernel,
    mesh=_mesh,
    out_type=jax.ShapeDtypeStruct((2, 3, 128), jnp.float32),
)
def _gather_rows(slab_hbm, out_hbm):
    pltpu.sync_copy(slab_hbm.at[0, pl.ds(2, 3)], out_hbm.at[0])
    for src_j, dst_b in _ROW_MAP:
        pltpu.sync_copy(
            slab_hbm.at[1, pl.ds(src_j, 1)], out_hbm.at[1, pl.ds(dst_b, 1)]
        )


def kernel(x):
    slab = jax.lax.slice(x, (0, 0, 0), (2, 8, 128))
    return _gather_rows(slab)

# --- scband reference (transcript-rebuilt; emitter-appended) ---
"""Pipeline reference for scband-my-model-61933428410108 (READ-ONLY COPY).

The authoritative reference and input builder live on the scoring server;
editing this copy changes nothing except your own understanding.
"""

import jax, jax.numpy as jnp
import numpy as np

# Buffers computed at module init in the torch source:
#   i1 = torch.arange(2).unsqueeze(-1)                      -> [[0],[1]]
#   torch.manual_seed(0); r = torch.rand(2,12)
#   i2 = torch.argsort(r, dim=-1)[:, :3]
# With torch seed 0, rand(2,12) rows are:
#   [0.4963,0.7682,0.0885,0.1320,0.3074,0.6341,0.4901,0.8964,0.4556,0.6323,0.3489,0.4017]
#   [0.0223,0.1689,0.2939,0.5185,0.6977,0.8000,0.1610,0.2823,0.6816,0.9152,0.3971,0.8742]
# argsort ascending, first 3 per row -> [[2,3,4],[0,6,1]]
I1 = np.arange(2).reshape(2, 1)
I2 = np.array([[2, 3, 4], [0, 6, 1]], dtype=np.int32)


def setup_inputs(seed: int = 0) -> dict:
    key = jax.random.key(seed)
    x = jax.random.normal(key, (4096, 12, 128), dtype=jnp.float32)
    return {"x": x}


def reference(x):
    i1 = jnp.asarray(I1, dtype=jnp.int32)
    i2 = jnp.asarray(I2, dtype=jnp.int32)
    # advanced indexing: out[a, b, :] = x[i1[a, 0], i2[a, b], :]
    return x[i1, i2]

if __name__ == "__main__":
    import jax
    _d = setup_inputs()
    print(jax.jit(kernel)(*tuple(_d.values())))

</pallas_src>

<mosaic_0001>
#map = affine_map<(d0) -> (0, 0, 0)>
module attributes {stable_mosaic.version = 14 : i64} {
  func.func @_gather_rows(%arg0: i32, %arg1: memref<2x8x128xf32, #tpu.memory_space<hbm>>, %arg2: memref<2x3x128xf32, #tpu.memory_space<hbm>>) attributes {dimension_semantics = [#tpu.dimension_semantics<core_parallel>], iteration_bounds = array<i64: 1>, scalar_prefetch = 0 : i64, scratch_operands = 0 : i64, tpu.core_type = #tpu.core_type<sc_scalar_subcore>, window_params = [{transform_indices = #map}, {transform_indices = #map}]} {
    %run_scoped3A = arith.constant 0 : i32
    %run_scoped3A_0 = arith.constant 0 : i32
    "tpu.region"() ({
      %run_scoped3A_7 = tpu.sem_alloc : memref<!tpu.dma_semaphore, #tpu.memory_space<semaphore_mem>>
      %dma_start3A = arith.constant 0 : i32
      %dma_start3A_8 = arith.constant 0 : i32
      %dma_start3A_9 = tpu.memref_slice %arg2[%run_scoped3A_0, %dma_start3A, %dma_start3A_8] : memref<2x3x128xf32, #tpu.memory_space<hbm>> -> memref<1x3x128xf32, #tpu.memory_space<hbm>>
      %dma_start3A_10 = tpu.memref_squeeze %dma_start3A_9 : memref<1x3x128xf32, #tpu.memory_space<hbm>> -> memref<3x128xf32, #tpu.memory_space<hbm>>
      %dma_start3A_11 = arith.constant 2 : i32
      %dma_start3A_12 = arith.constant 0 : i32
      %dma_start3A_13 = tpu.memref_slice %arg1[%run_scoped3A, %dma_start3A_11, %dma_start3A_12] : memref<2x8x128xf32, #tpu.memory_space<hbm>> -> memref<1x3x128xf32, #tpu.memory_space<hbm>>
      %dma_start3A_14 = tpu.memref_squeeze %dma_start3A_13 : memref<1x3x128xf32, #tpu.memory_space<hbm>> -> memref<3x128xf32, #tpu.memory_space<hbm>>
      tpu.enqueue_dma source(%dma_start3A_14 : memref<3x128xf32, #tpu.memory_space<hbm>>) target(%dma_start3A_10 : memref<3x128xf32, #tpu.memory_space<hbm>>) target_semaphore(%run_scoped3A_7 : memref<!tpu.dma_semaphore, #tpu.memory_space<semaphore_mem>>)
      %dma_wait3A = arith.constant 0 : i32
      %dma_wait3A_15 = arith.constant 0 : i32
      %dma_wait3A_16 = tpu.memref_slice %arg2[%run_scoped3A_0, %dma_wait3A, %dma_wait3A_15] : memref<2x3x128xf32, #tpu.memory_space<hbm>> -> memref<1x3x128xf32, #tpu.memory_space<hbm>>
      %dma_wait3A_17 = tpu.memref_squeeze %dma_wait3A_16 : memref<1x3x128xf32, #tpu.memory_space<hbm>> -> memref<3x128xf32, #tpu.memory_space<hbm>>
      %dma_wait3A_18 = arith.constant 2 : i32
      %dma_wait3A_19 = arith.constant 0 : i32
      %dma_wait3A_20 = tpu.memref_slice %arg1[%run_scoped3A, %dma_wait3A_18, %dma_wait3A_19] : memref<2x8x128xf32, #tpu.memory_space<hbm>> -> memref<1x3x128xf32, #tpu.memory_space<hbm>>
      %dma_wait3A_21 = tpu.memref_squeeze %dma_wait3A_20 : memref<1x3x128xf32, #tpu.memory_space<hbm>> -> memref<3x128xf32, #tpu.memory_space<hbm>>
      tpu.wait_dma2 semaphore(%run_scoped3A_7 : memref<!tpu.dma_semaphore, #tpu.memory_space<semaphore_mem>>) src(%dma_wait3A_21 : memref<3x128xf32, #tpu.memory_space<hbm>>) dst(%dma_wait3A_17 : memref<3x128xf32, #tpu.memory_space<hbm>>)
      tpu.yield
    }) : () -> ()
    %run_scoped3A_1 = arith.constant 1 : i32
    %run_scoped3A_2 = arith.constant 1 : i32
    "tpu.region"() ({
      %run_scoped3A_7 = tpu.sem_alloc : memref<!tpu.dma_semaphore, #tpu.memory_space<semaphore_mem>>
      %dma_start3A = arith.constant 0 : i32
      %dma_start3A_8 = arith.constant 0 : i32
      %dma_start3A_9 = tpu.memref_slice %arg2[%run_scoped3A_2, %dma_start3A, %dma_start3A_8] : memref<2x3x128xf32, #tpu.memory_space<hbm>> -> memref<1x1x128xf32, #tpu.memory_space<hbm>>
      %dma_start3A_10 = tpu.memref_squeeze %dma_start3A_9 : memref<1x1x128xf32, #tpu.memory_space<hbm>> -> memref<1x128xf32, #tpu.memory_space<hbm>>
      %dma_start3A_11 = arith.constant 0 : i32
      %dma_start3A_12 = arith.constant 0 : i32
      %dma_start3A_13 = tpu.memref_slice %arg1[%run_scoped3A_1, %dma_start3A_11, %dma_start3A_12] : memref<2x8x128xf32, #tpu.memory_space<hbm>> -> memref<1x1x128xf32, #tpu.memory_space<hbm>>
      %dma_start3A_14 = tpu.memref_squeeze %dma_start3A_13 : memref<1x1x128xf32, #tpu.memory_space<hbm>> -> memref<1x128xf32, #tpu.memory_space<hbm>>
      tpu.enqueue_dma source(%dma_start3A_14 : memref<1x128xf32, #tpu.memory_space<hbm>>) target(%dma_start3A_10 : memref<1x128xf32, #tpu.memory_space<hbm>>) target_semaphore(%run_scoped3A_7 : memref<!tpu.dma_semaphore, #tpu.memory_space<semaphore_mem>>)
      %dma_wait3A = arith.constant 0 : i32
      %dma_wait3A_15 = arith.constant 0 : i32
      %dma_wait3A_16 = tpu.memref_slice %arg2[%run_scoped3A_2, %dma_wait3A, %dma_wait3A_15] : memref<2x3x128xf32, #tpu.memory_space<hbm>> -> memref<1x1x128xf32, #tpu.memory_space<hbm>>
      %dma_wait3A_17 = tpu.memref_squeeze %dma_wait3A_16 : memref<1x1x128xf32, #tpu.memory_space<hbm>> -> memref<1x128xf32, #tpu.memory_space<hbm>>
      %dma_wait3A_18 = arith.constant 0 : i32
      %dma_wait3A_19 = arith.constant 0 : i32
      %dma_wait3A_20 = tpu.memref_slice %arg1[%run_scoped3A_1, %dma_wait3A_18, %dma_wait3A_19] : memref<2x8x128xf32, #tpu.memory_space<hbm>> -> memref<1x1x128xf32, #tpu.memory_space<hbm>>
      %dma_wait3A_21 = tpu.memref_squeeze %dma_wait3A_20 : memref<1x1x128xf32, #tpu.memory_space<hbm>> -> memref<1x128xf32, #tpu.memory_space<hbm>>
      tpu.wait_dma2 semaphore(%run_scoped3A_7 : memref<!tpu.dma_semaphore, #tpu.memory_space<semaphore_mem>>) src(%dma_wait3A_21 : memref<1x128xf32, #tpu.memory_space<hbm>>) dst(%dma_wait3A_17 : memref<1x128xf32, #tpu.memory_space<hbm>>)
      tpu.yield
    }) : () -> ()
    %run_scoped3A_3 = arith.constant 1 : i32
    %run_scoped3A_4 = arith.constant 1 : i32
    "tpu.region"() ({
      %run_scoped3A_7 = tpu.sem_alloc : memref<!tpu.dma_semaphore, #tpu.memory_space<semaphore_mem>>
      %dma_start3A = arith.constant 1 : i32
      %dma_start3A_8 = arith.constant 0 : i32
      %dma_start3A_9 = tpu.memref_slice %arg2[%run_scoped3A_4, %dma_start3A, %dma_start3A_8] : memref<2x3x128xf32, #tpu.memory_space<hbm>> -> memref<1x1x128xf32, #tpu.memory_space<hbm>>
      %dma_start3A_10 = tpu.memref_squeeze %dma_start3A_9 : memref<1x1x128xf32, #tpu.memory_space<hbm>> -> memref<1x128xf32, #tpu.memory_space<hbm>>
      %dma_start3A_11 = arith.constant 6 : i32
      %dma_start3A_12 = arith.constant 0 : i32
      %dma_start3A_13 = tpu.memref_slice %arg1[%run_scoped3A_3, %dma_start3A_11, %dma_start3A_12] : memref<2x8x128xf32, #tpu.memory_space<hbm>> -> memref<1x1x128xf32, #tpu.memory_space<hbm>>
      %dma_start3A_14 = tpu.memref_squeeze %dma_start3A_13 : memref<1x1x128xf32, #tpu.memory_space<hbm>> -> memref<1x128xf32, #tpu.memory_space<hbm>>
      tpu.enqueue_dma source(%dma_start3A_14 : memref<1x128xf32, #tpu.memory_space<hbm>>) target(%dma_start3A_10 : memref<1x128xf32, #tpu.memory_space<hbm>>) target_semaphore(%run_scoped3A_7 : memref<!tpu.dma_semaphore, #tpu.memory_space<semaphore_mem>>)
      %dma_wait3A = arith.constant 1 : i32
      %dma_wait3A_15 = arith.constant 0 : i32
      %dma_wait3A_16 = tpu.memref_slice %arg2[%run_scoped3A_4, %dma_wait3A, %dma_wait3A_15] : memref<2x3x128xf32, #tpu.memory_space<hbm>> -> memref<1x1x128xf32, #tpu.memory_space<hbm>>
      %dma_wait3A_17 = tpu.memref_squeeze %dma_wait3A_16 : memref<1x1x128xf32, #tpu.memory_space<hbm>> -> memref<1x128xf32, #tpu.memory_space<hbm>>
      %dma_wait3A_18 = arith.constant 6 : i32
      %dma_wait3A_19 = arith.constant 0 : i32
      %dma_wait3A_20 = tpu.memref_slice %arg1[%run_scoped3A_3, %dma_wait3A_18, %dma_wait3A_19] : memref<2x8x128xf32, #tpu.memory_space<hbm>> -> memref<1x1x128xf32, #tpu.memory_space<hbm>>
      %dma_wait3A_21 = tpu.memref_squeeze %dma_wait3A_20 : memref<1x1x128xf32, #tpu.memory_space<hbm>> -> memref<1x128xf32, #tpu.memory_space<hbm>>
      tpu.wait_dma2 semaphore(%run_scoped3A_7 : memref<!tpu.dma_semaphore, #tpu.memory_space<semaphore_mem>>) src(%dma_wait3A_21 : memref<1x128xf32, #tpu.memory_space<hbm>>) dst(%dma_wait3A_17 : memref<1x128xf32, #tpu.memory_space<hbm>>)
      tpu.yield
    }) : () -> ()
    %run_scoped3A_5 = arith.constant 1 : i32
    %run_scoped3A_6 = arith.constant 1 : i32
    "tpu.region"() ({
      %run_scoped3A_7 = tpu.sem_alloc : memref<!tpu.dma_semaphore, #tpu.memory_space<semaphore_mem>>
      %dma_start3A = arith.constant 2 : i32
      %dma_start3A_8 = arith.constant 0 : i32
      %dma_start3A_9 = tpu.memref_slice %arg2[%run_scoped3A_6, %dma_start3A, %dma_start3A_8] : memref<2x3x128xf32, #tpu.memory_space<hbm>> -> memref<1x1x128xf32, #tpu.memory_space<hbm>>
      %dma_start3A_10 = tpu.memref_squeeze %dma_start3A_9 : memref<1x1x128xf32, #tpu.memory_space<hbm>> -> memref<1x128xf32, #tpu.memory_space<hbm>>
      %dma_start3A_11 = arith.constant 1 : i32
      %dma_start3A_12 = arith.constant 0 : i32
      %dma_start3A_13 = tpu.memref_slice %arg1[%run_scoped3A_5, %dma_start3A_11, %dma_start3A_12] : memref<2x8x128xf32, #tpu.memory_space<hbm>> -> memref<1x1x128xf32, #tpu.memory_space<hbm>>
      %dma_start3A_14 = tpu.memref_squeeze %dma_start3A_13 : memref<1x1x128xf32, #tpu.memory_space<hbm>> -> memref<1x128xf32, #tpu.memory_space<hbm>>
      tpu.enqueue_dma source(%dma_start3A_14 : memref<1x128xf32, #tpu.memory_space<hbm>>) target(%dma_start3A_10 : memref<1x128xf32, #tpu.memory_space<hbm>>) target_semaphore(%run_scoped3A_7 : memref<!tpu.dma_semaphore, #tpu.memory_space<semaphore_mem>>)
      %dma_wait3A = arith.constant 2 : i32
      %dma_wait3A_15 = arith.constant 0 : i32
      %dma_wait3A_16 = tpu.memref_slice %arg2[%run_scoped3A_6, %dma_wait3A, %dma_wait3A_15] : memref<2x3x128xf32, #tpu.memory_space<hbm>> -> memref<1x1x128xf32, #tpu.memory_space<hbm>>
      %dma_wait3A_17 = tpu.memref_squeeze %dma_wait3A_16 : memref<1x1x128xf32, #tpu.memory_space<hbm>> -> memref<1x128xf32, #tpu.memory_space<hbm>>
      %dma_wait3A_18 = arith.constant 1 : i32
      %dma_wait3A_19 = arith.constant 0 : i32
      %dma_wait3A_20 = tpu.memref_slice %arg1[%run_scoped3A_5, %dma_wait3A_18, %dma_wait3A_19] : memref<2x8x128xf32, #tpu.memory_space<hbm>> -> memref<1x1x128xf32, #tpu.memory_space<hbm>>
      %dma_wait3A_21 = tpu.memref_squeeze %dma_wait3A_20 : memref<1x1x128xf32, #tpu.memory_space<hbm>> -> memref<1x128xf32, #tpu.memory_space<hbm>>
      tpu.wait_dma2 semaphore(%run_scoped3A_7 : memref<!tpu.dma_semaphore, #tpu.memory_space<semaphore_mem>>) src(%dma_wait3A_21 : memref<1x128xf32, #tpu.memory_space<hbm>>) dst(%dma_wait3A_17 : memref<1x128xf32, #tpu.memory_space<hbm>>)
      tpu.yield
    }) : () -> ()
    return
  }
}

</mosaic_0001>

<sc_bundles>
// kernel: kernel.3.cloned.1.call-start
scs
__scs_entry_jumppad:
0x0: {  	(pc) =	sbr.rel $0x88, $3  }
0x1: {  	(tag) =	ssettag $0x0;
	lr =	simm.s32 $0x1  }
0x2: {  	[smem:$0x3FA0] =	sst lr;
	_ =	strace $0xD0000000  }
0x3: {  	_ = 	snop  }
0x4: {  	_ = 	snop  }
0x5: {  	_ = 	snop  }
0x6: {  	_ = 	snop  }
0x7: {  	_ = 	snop  }
__scs_overlays_trampoline_lowered:
0x8: {  	[smem:$0x3FAF] =	sst s0  }
0x9: {  	[smem:$0x3FB0] =	sst s1  }
0xa: {  	[smem:$0x3FB1] =	sst s2  }
0xb: {  	[smem:$0x3FB2] =	sst s3  }
0xc: {  	[smem:$0x3FB3] =	sst s4  }
0xd: {  	[smem:$0x3FB4] =	sst s5  }
0xe: {  	[smem:$0x3FB5] =	sst s6  }
0xf: {  	[smem:$0x3FB6] =	sst s7  }
0x10: {  	[smem:$0x3FB7] =	sst s8  }
0x11: {  	[smem:$0x3FB8] =	sst s9;
	s0 =	simm.s32 @!p0 $0x0  }
0x12: {  	s1 =	sld [smem:$0x3F9E];
	s0 =	simm.s32 @p0 $0x1  }
0x13: {  	[smem:$0x3FB9] =	sst s0;
	s0 =	simm.s32 @!p1 $0x0  }
0x14: {  	s2 =	sld [smem:$0x3F9D];
	s0 =	simm.s32 @p1 $0x1  }
0x15: {  	[smem:$0x3FBA] =	sst s0;
	s0 =	simm.s32 @!p2 $0x0  }
0x16: {  	s3 =	sld [smem:$0x3FDB];
	s0 =	simm.s32 @p2 $0x1  }
0x17: {  	s4 =	simm.s32 $0x1BF5;
	[smem:$0x3FBC] =	sst s0  }
0x18: {  	s0 =	sld [smem:$0x3F9F];
	_ =	swait.ge [sflag:s4], $0x0  }
0x19: {  	s7 =	sld [smem:$0x3FA0]  }
0x1a: {  	s8 =	sadd.s32 $0xFFFFE003, lr  }
0x1b: {  	s9 =	sadd.s32 $0xFFFFFEF7, lr;
	s5 =	simm.s32 $0xFFFFFFFF;
	p2 =	slt.u32 s8, $0xFFFFF086  }
0x1c: {  	p1 =	slt.u32 s9, $0xF7A;
	s5 =	simm.s32 @!p2 $0x0  }
0x1d: {  	s5 =	simm.s32 @p1 $0x1;
	p0 =	seq.s32 s7, s2  }
0x1e: {  	s7 =	smul.u32 @!p0 $0xF7A, s2;
	p2 =	seq.s32 @!p0 s5, $0x0  }
0x1f: {  	s9 =	smul.u32 $0xF7A, s1;
	s8 =	simm.s32 @!p0 $0x1BF5;
	p2 =	por !p2, p0  }
0x20: {  	[sflag:s8] =	ssyncset.s32 @!p0 $0xFFFFF086;
	s6 =	sadd.s32 @!p0 s3, s7;
	s7 =	simm.s32 @!p0 $0x108  }
0x21: {  	s3 =	sadd.s32 s3, s9;
	s6 =	sadd.s32 @!p0 $0x88, s6;
	s7 =	simm.s32 @p2 $0x1082  }
0x22: {  	[simem:s7], [sflag:s8] =	dma.local @!p0 [hbm:s6], $0xF7A  }
0x23: {  	s9 =	sor.u32 $0xD0000000, s2;
	s6 =	simm.s32 $0x108;
	_ =	swait.ge @!p0 [sflag:s8], $0x0  }
0x24: {  	s3 =	sadd.s32 $0x88, s3;
	s6 =	simm.s32 @!p1 $0x1082;
	[sflag:s4] =	ssyncset.s32 $0xFFFFF086  }
0x25: {  	[simem:s6], [sflag:s4] =	dma.local [hbm:s3], $0xF7A  }
0x26: {  	[smem:$0x3FA0] =	sst s1;
	(tag) =	ssettag s2;
	_ =	strace s9  }
0x27: {  	s1 =	sld [smem:$0x3FB0]  }
0x28: {  	s2 =	sld [smem:$0x3FB1]  }
0x29: {  	s4 =	sld [smem:$0x3FB3]  }
0x2a: {  	p0 =	seq.s32 s5, $0x0;
	s5 =	sld [smem:$0x3FB4]  }
0x2b: {  	s6 =	sld [smem:$0x3FB5]  }
0x2c: {  	s7 =	sld [smem:$0x3FB6]  }
0x2d: {  	s3 =	simm.s32 $0x108;
	s8 =	sld [smem:$0x3FB7]  }
0x2e: {  	s3 =	simm.s32 @!p0 $0x1082;
	s9 =	sld [smem:$0x3FB8]  }
0x2f: {  	lr =	sadd.s32 s0, s3;
	s0 =	sld [smem:$0x3FAF]  }
0x30: {  	s3 =	sld [smem:$0x3FB2]  }
0x31: {  	[smem:$0x3FBB] =	sst s10  }
0x32: {  	s10 =	sld [smem:$0x3FB9];
	_ =	sdelay $0x3  }
0x33: {  	p0 =	seq.s32 s10, $0x1;
	s10 =	sld [smem:$0x3FBB];
	_ =	sdelay $0x3  }
0x34: {  	[smem:$0x3FBB] =	sst s10  }
0x35: {  	s10 =	sld [smem:$0x3FBA];
	_ =	sdelay $0x3  }
0x36: {  	p1 =	seq.s32 s10, $0x1;
	s10 =	sld [smem:$0x3FBB];
	_ =	sdelay $0x3  }
0x37: {  	[smem:$0x3FBB] =	sst s10  }
0x38: {  	s10 =	sld [smem:$0x3FBC]  }
0x39: {  	_ = 	snop;
	(pc) =	sbr.ind lr, $3  }
0x3a: {  	_ = 	snop  }
0x3b: {  	_ = 	snop  }
0x3c: {  	p2 =	seq.s32 s10, $0x1;
	s10 =	sld [smem:$0x3FBB]  }
0x3d: {  	_ =	shalt  }
0x3e: {  	_ =	shalt  }
0x3f: {  	_ =	shalt  }
0x40: {  	_ =	shalt  }
0x41: {  	_ =	shalt  }
0x42: {  	_ =	shalt  }
0x43: {  	_ =	shalt  }
0x44: {  	_ =	shalt  }
0x45: {  	_ =	shalt  }
0x46: {  	_ =	shalt  }
0x47: {  	_ =	shalt  }
0x48: {  	_ =	shalt  }
0x49: {  	_ =	shalt  }
0x4a: {  	_ =	shalt  }
0x4b: {  	_ =	shalt  }
0x4c: {  	_ =	shalt  }
0x4d: {  	_ =	shalt  }
0x4e: {  	_ =	shalt  }
0x4f: {  	_ =	shalt  }
0x50: {  	_ =	shalt  }
0x51: {  	_ =	shalt  }
0x52: {  	_ =	shalt  }
0x53: {  	_ =	shalt  }
0x54: {  	_ =	shalt  }
0x55: {  	_ =	shalt  }
0x56: {  	_ =	shalt  }
0x57: {  	_ =	shalt  }
0x58: {  	_ =	shalt  }
0x59: {  	_ =	shalt  }
0x5a: {  	_ =	shalt  }
0x5b: {  	_ =	shalt  }
0x5c: {  	_ =	shalt  }
0x5d: {  	_ =	shalt  }
0x5e: {  	_ =	shalt  }
0x5f: {  	_ =	shalt  }
0x60: {  	_ =	shalt  }
0x61: {  	_ =	shalt  }
0x62: {  	_ =	shalt  }
0x63: {  	_ =	shalt  }
0x64: {  	_ =	shalt  }
0x65: {  	_ =	shalt  }
0x66: {  	_ =	shalt  }
0x67: {  	_ =	shalt  }
0x68: {  	_ =	shalt  }
0x69: {  	_ =	shalt  }
0x6a: {  	_ =	shalt  }
0x6b: {  	_ =	shalt  }
0x6c: {  	_ =	shalt  }
0x6d: {  	_ =	shalt  }
0x6e: {  	_ =	shalt  }
0x6f: {  	_ =	shalt  }
0x70: {  	_ =	shalt  }
0x71: {  	_ =	shalt  }
0x72: {  	_ =	shalt  }
0x73: {  	_ =	shalt  }
0x74: {  	_ =	shalt  }
0x75: {  	_ =	shalt  }
0x76: {  	_ =	shalt  }
0x77: {  	_ =	shalt  }
0x78: {  	_ =	shalt  }
0x79: {  	_ =	shalt  }
0x7a: {  	_ =	shalt  }
0x7b: {  	_ =	shalt  }
0x7c: {  	_ =	shalt  }
0x7d: {  	_ =	shalt  }
0x7e: {  	_ =	shalt  }
0x7f: {  	_ =	shalt  }
0x80: {  	_ =	shalt  }
0x81: {  	_ =	shalt  }
0x82: {  	_ =	shalt  }
0x83: {  	_ =	shalt  }
0x84: {  	_ =	shalt  }
0x85: {  	_ =	shalt  }
0x86: {  	_ =	shalt  }
0x87: {  	_ =	shalt  }
.Lfunc_end0:
.L_simem_size_0:
called_computation_lowered:
.L_overlay_start_0:
0x88: {  	s0 =	sld [smem:$0x3FD9]  }
0x89: {  	s1 =	sld [smem:$0x3FFE];
	_ =	sdelay $0x3  }
0x8a: {  	s0 =	sadd.s32 s1, s0  }
0x8b: {  	s16 =	simm.s32 $0x0;
	[smem:$0x3FC7] =	sst s0  }
0x8c: {  	[smem:$0xF] =	sst s16  }
0x8d: {  	(tm) =	ssettm $0x1  }
0x8e: {  	s17 =	sld [smem:$0x3FFB];
	_ =	sdelay $0x3  }
0x8f: {  	_ =	strace s17  }
0x90: {  	s0 =	sld [smem:$0x3FFC];
	_ =	sdelay $0x3  }
0x91: {  	_ =	strace s0  }
0x92: {  	s0 =	sld [smem:$0x3FFD];
	_ =	sdelay $0x3  }
0x93: {  	_ =	strace s0  }
0x94: {  	s18 =	simm.s32 $0x1B8B;
	_ =	strace $0x8FFFFFFF  }
0x95: {  	_ =	swait.ge [sflag:s18], $0x1  }
0x96: {  	s19 =	sld [smem:$0x3FFE]  }
0x97: {  	[sflag:s18] =	ssyncset.done $0x0  }
0x98: {  	s20 =	simm.s32 $0x1B8E;
	[sflag:s18] =	ssyncadd.s32 $0xFFFFFFFF  }
0x99: {  	s3 =	simm.s32 $0x9;
	[smem:$0x3FD2] =	sst s20  }
0x9a: {  	_ =	strace $0x80000046;
	s21 =	sadd.s32 $0x600, s19;
	s2 =	sadd.s32 $0x420, s19  }
0x9b: {  	[hbm:s21], [sflag:s3] =	dma.local [hbm:s2], $0x30  }
0x9c: {  	_ =	swait.ge [sflag:s3], $0x30  }
0x9d: {  	[sflag:s3] =	ssyncset.done $0x0  }
0x9e: {  	[sflag:s3] =	ssyncadd.s32 $0xFFFFFFD0  }
0x9f: {  	s22 =	sadd.s32 $0x640, s19;
	s23 =	sadd.s32 $0x480, s19  }
0xa0: {  	[hbm:s22], [sflag:s3] =	dma.local [hbm:s23], $0x10  }
0xa1: {  	_ =	swait.ge [sflag:s3], $0x10  }
0xa2: {  	[sflag:s3] =	ssyncset.done $0x0  }
0xa3: {  	[sflag:s3] =	ssyncadd.s32 $0xFFFFFFF0  }
0xa4: {  	s24 =	sadd.s32 $0x650, s19;
	s25 =	sadd.s32 $0x4E0, s19  }
0xa5: {  	[hbm:s24], [sflag:s3] =	dma.local [hbm:s25], $0x10  }
0xa6: {  	_ =	swait.ge [sflag:s3], $0x10  }
0xa7: {  	[sflag:s3] =	ssyncset.done $0x0  }
0xa8: {  	[sflag:s3] =	ssyncadd.s32 $0xFFFFFFF0  }
0xa9: {  	s26 =	sadd.s32 $0x660, s19;
	s1 =	sadd.s32 $0x490, s19  }
0xaa: {  	[hbm:s26], [sflag:s3] =	dma.local [hbm:s1], $0x10  }
0xab: {  	_ =	swait.ge [sflag:s3], $0x10  }
0xac: {  	[sflag:s3] =	ssyncset.done $0x0  }
0xad: {  	[sflag:s3] =	ssyncadd.s32 $0xFFFFFFF0  }
0xae: {  	_ =	strace $0x90000046  }
0xaf: {  	_ =	sfence  }
0xb0: {  	s28 =	sld [smem:$0x0];
	_ =	sdelay $0x1  }
0xb1: {  	s29 =	srdreg.scid  }
0xb2: {  	s30 =	sshll.u32 s29, $0xD;
	s31 =	sshrl.u32 s29, $0x2  }
0xb3: {  	s2 =	sand.u32 $0x4000, s30;
	s1 =	sand.u32 $0x1, s29;
	s0 =	sadd.s32 s31, s28  }
0xb4: {  	s1 =	sor.u32 s2, s1;
	s0 =	sshll.u32 s0, $0x11  }
0xb5: {  	s0 =	sor.u32 s0, s1  }
0xb6: {  	s0 =	sadd.s32 $0x8F2B, s0;
	(pc) =	sbr.abs _section_cstart, $3  }
0xb7: {  	[sflag:s0] =	ssyncadd.remote.s32 $0x1  }
0xb8: {  	_ =	strace $0x9FFFFFFF  }
0xb9: {  	(tm) =	ssettm $0x7FFFFFFF  }

</sc_bundles>
